<compile_context>
chip_gen: v7x
topology: tpu7x:2x2x1
jax: 0.10.2.dev20260603
libtpu: 0.0.44.dev20260713+nightly
codegen_flags: <defaults>
</compile_context>

<pallas_src>
import jax
import jax.numpy as jnp
from jax import lax
from jax.experimental import pallas as pl
from jax.experimental.pallas import tpu as pltpu
from jax.experimental.pallas import tpu_sc as plsc

N = 100000
M = 4
T = 16
NC = 2
NS = 16
NW = NC * NS
LANES = 16
CHUNK = 3136


def _body(x_hbm, b_hbm, at_hbm, mt_hbm, sh_hbm, sc_hbm, out_hbm,
          x_v, b_v, at_v, mt_v, sh_v, sc_v, out_v, sem):
    wid = lax.axis_index("s") * NC + lax.axis_index("c")
    base = jnp.minimum(wid * CHUNK, N - CHUNK)

    copies = [
        pltpu.async_copy(mt_hbm, mt_v, sem),
        pltpu.async_copy(sh_hbm, sh_v, sem),
        pltpu.async_copy(sc_hbm, sc_v, sem),
        pltpu.async_copy(x_hbm.at[pl.ds(base, CHUNK)], x_v, sem),
        pltpu.async_copy(b_hbm.at[pl.ds(base, CHUNK)], b_v, sem),
        pltpu.async_copy(at_hbm.at[pl.ds(base, CHUNK)], at_v, sem),
    ]
    for c in copies:
        c.wait()

    @plsc.parallel_loop(0, CHUNK, step=LANES, unroll=4)
    def _(off):
        b16 = b_v[pl.ds(off, LANES)]
        m16 = plsc.load_gather(mt_v, [b16])
        t16 = at_v[pl.ds(off, LANES)]
        c16 = plsc.load_gather(sc_v, [m16, t16])
        s16 = plsc.load_gather(sh_v, [m16, t16])
        out_v[pl.ds(off, LANES)] = x_v[pl.ds(off, LANES)] * c16 + s16

    pltpu.sync_copy(out_v, out_hbm.at[pl.ds(base, CHUNK)])


@jax.jit
def _rescale(x, b, at, mt, sh, sc):
    mesh = plsc.VectorSubcoreMesh(core_axis_name="c", subcore_axis_name="s")
    return pl.kernel(
        _body,
        out_type=jax.ShapeDtypeStruct((N,), jnp.float32),
        mesh=mesh,
        compiler_params=pltpu.CompilerParams(needs_layout_passes=False),
        scratch_types=[
            pltpu.VMEM((CHUNK,), jnp.float32),
            pltpu.VMEM((CHUNK,), jnp.int32),
            pltpu.VMEM((CHUNK,), jnp.int32),
            pltpu.VMEM((mt.shape[0],), jnp.int32),
            pltpu.VMEM((M, T), jnp.float32),
            pltpu.VMEM((M, T), jnp.float32),
            pltpu.VMEM((CHUNK,), jnp.float32),
            pltpu.SemaphoreType.DMA,
        ],
    )(x, b, at, mt, sh, sc)


def kernel(scaled_atomic_energy, batch, modal_type, atom_type, shift, scale):
    x = lax.squeeze(scaled_atomic_energy, (1,))
    b = batch.astype(jnp.int32)
    at = atom_type.astype(jnp.int32)
    mt = modal_type.astype(jnp.int32)
    out = _rescale(x, b, at, mt, shift, scale)
    return out[:, None]

# --- scband reference (transcript-rebuilt; emitter-appended) ---
"""Pipeline reference for scband-modal-wise-rescale-42210938585122 (READ-ONLY COPY).

The authoritative reference and input builder live on the scoring server;
editing this copy changes nothing except your own understanding.
"""

import jax, jax.numpy as jnp
import numpy as np

N = 100000  # atoms
G = 256     # graphs in batch
M = 4       # modals
T = 16      # atom types

def setup_inputs(seed: int = 0) -> dict:
    key = jax.random.key(seed)
    k1, k2, k3, k4 = jax.random.split(key, 4)
    scaled_atomic_energy = jax.random.normal(k1, (N, 1), dtype=jnp.float32)
    batch = jnp.sort(jax.random.randint(k2, (N,), 0, G)).astype(jnp.int64)
    modal_type = jax.random.randint(k3, (G,), 0, M).astype(jnp.int64)
    atom_type = jax.random.randint(k4, (N,), 0, T).astype(jnp.int64)
    # learned parameters (shift/scale tables), same pattern as init_kwargs
    m_idx = jnp.arange(M, dtype=jnp.float32)[:, None]
    t_idx = jnp.arange(T, dtype=jnp.float32)[None, :]
    shift = (-0.5 + 0.1 * m_idx + 0.02 * t_idx).astype(jnp.float32)
    scale = (1.0 + 0.05 * m_idx + 0.01 * t_idx).astype(jnp.float32)
    return {
        'scaled_atomic_energy': scaled_atomic_energy,
        'batch': batch,
        'modal_type': modal_type,
        'atom_type': atom_type,
        'shift': shift,
        'scale': scale,
    }

def reference(scaled_atomic_energy, batch, modal_type, atom_type, shift, scale):
    # modal index per atom: gather graph-level modal id through batch vector
    modal_indices = jnp.take(modal_type, batch, axis=0)
    # modal-wise + atom-wise gather from [M, T] tables
    s = shift[modal_indices, atom_type]
    c = scale[modal_indices, atom_type]
    atomic_energy = scaled_atomic_energy * c[:, None] + s[:, None]
    return atomic_energy

if __name__ == "__main__":
    import jax
    _d = setup_inputs()
    print(jax.jit(kernel)(*tuple(_d.values())))

</pallas_src>

<mosaic_0001>
#map = affine_map<(d0, d1) -> (0)>
#map1 = affine_map<(d0, d1) -> (0, 0)>
module attributes {stable_mosaic.version = 14 : i64} {
  func.func @_body(%arg0: i32, %arg1: i32, %arg2: memref<100000xf32, #tpu.memory_space<hbm>>, %arg3: memref<100000xi32, #tpu.memory_space<hbm>>, %arg4: memref<100000xi32, #tpu.memory_space<hbm>>, %arg5: memref<256xi32, #tpu.memory_space<hbm>>, %arg6: memref<4x16xf32, #tpu.memory_space<hbm>>, %arg7: memref<4x16xf32, #tpu.memory_space<hbm>>, %arg8: memref<100000xf32, #tpu.memory_space<hbm>>, %arg9: memref<3136xf32, #tpu.memory_space<vmem>>, %arg10: memref<3136xi32, #tpu.memory_space<vmem>>, %arg11: memref<3136xi32, #tpu.memory_space<vmem>>, %arg12: memref<256xi32, #tpu.memory_space<vmem>>, %arg13: memref<4x16xf32, #tpu.memory_space<vmem>>, %arg14: memref<4x16xf32, #tpu.memory_space<vmem>>, %arg15: memref<3136xf32, #tpu.memory_space<vmem>>, %arg16: memref<!tpu.dma_semaphore, #tpu.memory_space<semaphore_mem>>) attributes {dimension_semantics = [#tpu.dimension_semantics<core_parallel>, #tpu.dimension_semantics<subcore_parallel>], iteration_bounds = array<i64: 2, 16>, scalar_prefetch = 0 : i64, scratch_operands = 8 : i64, tpu.core_type = #tpu.core_type<sc_vector_subcore>, window_params = [{transform_indices = #map}, {transform_indices = #map}, {transform_indices = #map}, {transform_indices = #map}, {transform_indices = #map1}, {transform_indices = #map1}, {transform_indices = #map}]} {
    %mul3A = arith.constant 2 : i32
    %mul3A_0 = arith.muli %arg1, %mul3A : i32
    %add3A = arith.addi %mul3A_0, %arg0 : i32
    %mul3A_1 = arith.constant 3136 : i32
    %mul3A_2 = arith.muli %add3A, %mul3A_1 : i32
    %min3A = arith.constant 96864 : i32
    %min3A_3 = arith.minsi %mul3A_2, %min3A : i32
    tpu.enqueue_dma source(%arg5 : memref<256xi32, #tpu.memory_space<hbm>>) target(%arg12 : memref<256xi32, #tpu.memory_space<vmem>>) target_semaphore(%arg16 : memref<!tpu.dma_semaphore, #tpu.memory_space<semaphore_mem>>)
    tpu.enqueue_dma source(%arg6 : memref<4x16xf32, #tpu.memory_space<hbm>>) target(%arg13 : memref<4x16xf32, #tpu.memory_space<vmem>>) target_semaphore(%arg16 : memref<!tpu.dma_semaphore, #tpu.memory_space<semaphore_mem>>)
    tpu.enqueue_dma source(%arg7 : memref<4x16xf32, #tpu.memory_space<hbm>>) target(%arg14 : memref<4x16xf32, #tpu.memory_space<vmem>>) target_semaphore(%arg16 : memref<!tpu.dma_semaphore, #tpu.memory_space<semaphore_mem>>)
    %dma_start3A = tpu.memref_slice %arg2[%min3A_3] : memref<100000xf32, #tpu.memory_space<hbm>> -> memref<3136xf32, #tpu.memory_space<hbm>>
    %dma_start3A_4 = tpu.memref_slice %arg2[%min3A_3] : memref<100000xf32, #tpu.memory_space<hbm>> -> memref<3136xf32, #tpu.memory_space<hbm>>
    tpu.enqueue_dma source(%dma_start3A_4 : memref<3136xf32, #tpu.memory_space<hbm>>) target(%arg9 : memref<3136xf32, #tpu.memory_space<vmem>>) target_semaphore(%arg16 : memref<!tpu.dma_semaphore, #tpu.memory_space<semaphore_mem>>)
    %dma_start3A_5 = tpu.memref_slice %arg3[%min3A_3] : memref<100000xi32, #tpu.memory_space<hbm>> -> memref<3136xi32, #tpu.memory_space<hbm>>
    %dma_start3A_6 = tpu.memref_slice %arg3[%min3A_3] : memref<100000xi32, #tpu.memory_space<hbm>> -> memref<3136xi32, #tpu.memory_space<hbm>>
    tpu.enqueue_dma source(%dma_start3A_6 : memref<3136xi32, #tpu.memory_space<hbm>>) target(%arg10 : memref<3136xi32, #tpu.memory_space<vmem>>) target_semaphore(%arg16 : memref<!tpu.dma_semaphore, #tpu.memory_space<semaphore_mem>>)
    %dma_start3A_7 = tpu.memref_slice %arg4[%min3A_3] : memref<100000xi32, #tpu.memory_space<hbm>> -> memref<3136xi32, #tpu.memory_space<hbm>>
    %dma_start3A_8 = tpu.memref_slice %arg4[%min3A_3] : memref<100000xi32, #tpu.memory_space<hbm>> -> memref<3136xi32, #tpu.memory_space<hbm>>
    tpu.enqueue_dma source(%dma_start3A_8 : memref<3136xi32, #tpu.memory_space<hbm>>) target(%arg11 : memref<3136xi32, #tpu.memory_space<vmem>>) target_semaphore(%arg16 : memref<!tpu.dma_semaphore, #tpu.memory_space<semaphore_mem>>)
    tpu.wait_dma2 semaphore(%arg16 : memref<!tpu.dma_semaphore, #tpu.memory_space<semaphore_mem>>) src(%arg5 : memref<256xi32, #tpu.memory_space<hbm>>) dst(%arg12 : memref<256xi32, #tpu.memory_space<vmem>>)
    tpu.wait_dma2 semaphore(%arg16 : memref<!tpu.dma_semaphore, #tpu.memory_space<semaphore_mem>>) src(%arg6 : memref<4x16xf32, #tpu.memory_space<hbm>>) dst(%arg13 : memref<4x16xf32, #tpu.memory_space<vmem>>)
    tpu.wait_dma2 semaphore(%arg16 : memref<!tpu.dma_semaphore, #tpu.memory_space<semaphore_mem>>) src(%arg7 : memref<4x16xf32, #tpu.memory_space<hbm>>) dst(%arg14 : memref<4x16xf32, #tpu.memory_space<vmem>>)
    %dma_wait3A = tpu.memref_slice %arg2[%min3A_3] : memref<100000xf32, #tpu.memory_space<hbm>> -> memref<3136xf32, #tpu.memory_space<hbm>>
    %dma_wait3A_9 = tpu.memref_slice %arg2[%min3A_3] : memref<100000xf32, #tpu.memory_space<hbm>> -> memref<3136xf32, #tpu.memory_space<hbm>>
    tpu.wait_dma2 semaphore(%arg16 : memref<!tpu.dma_semaphore, #tpu.memory_space<semaphore_mem>>) src(%dma_wait3A_9 : memref<3136xf32, #tpu.memory_space<hbm>>) dst(%arg9 : memref<3136xf32, #tpu.memory_space<vmem>>)
    %dma_wait3A_10 = tpu.memref_slice %arg3[%min3A_3] : memref<100000xi32, #tpu.memory_space<hbm>> -> memref<3136xi32, #tpu.memory_space<hbm>>
    %dma_wait3A_11 = tpu.memref_slice %arg3[%min3A_3] : memref<100000xi32, #tpu.memory_space<hbm>> -> memref<3136xi32, #tpu.memory_space<hbm>>
    tpu.wait_dma2 semaphore(%arg16 : memref<!tpu.dma_semaphore, #tpu.memory_space<semaphore_mem>>) src(%dma_wait3A_11 : memref<3136xi32, #tpu.memory_space<hbm>>) dst(%arg10 : memref<3136xi32, #tpu.memory_space<vmem>>)
    %dma_wait3A_12 = tpu.memref_slice %arg4[%min3A_3] : memref<100000xi32, #tpu.memory_space<hbm>> -> memref<3136xi32, #tpu.memory_space<hbm>>
    %dma_wait3A_13 = tpu.memref_slice %arg4[%min3A_3] : memref<100000xi32, #tpu.memory_space<hbm>> -> memref<3136xi32, #tpu.memory_space<hbm>>
    tpu.wait_dma2 semaphore(%arg16 : memref<!tpu.dma_semaphore, #tpu.memory_space<semaphore_mem>>) src(%dma_wait3A_13 : memref<3136xi32, #tpu.memory_space<hbm>>) dst(%arg11 : memref<3136xi32, #tpu.memory_space<vmem>>)
    %parallel_loop3A = arith.constant 0 : i32
    %parallel_loop3A_14 = arith.constant 3136 : i32
    %parallel_loop3A_15 = arith.constant 16 : i32
    scf.for %parallel_loop3A_16 = %parallel_loop3A to %parallel_loop3A_14 step %parallel_loop3A_15  : i32 {
      %parallel_loop3A_17 = arith.index_cast %parallel_loop3A_16 : i32 to index
      %parallel_loop3A_18 = tpu.vector_load %arg10[%parallel_loop3A_17] {strides = array<i32>} : memref<3136xi32, #tpu.memory_space<vmem>>, vector<16xi32>,
      %parallel_loop3A_19 = tpu.vector_load_idx %arg12[%parallel_loop3A_18] : memref<256xi32, #tpu.memory_space<vmem>>[vector<16xi32>], vector<16xi32>,
      %parallel_loop3A_20 = arith.index_cast %parallel_loop3A_16 : i32 to index
      %parallel_loop3A_21 = tpu.vector_load %arg11[%parallel_loop3A_20] {strides = array<i32>} : memref<3136xi32, #tpu.memory_space<vmem>>, vector<16xi32>,
      %parallel_loop3A_22 = tpu.vector_load_idx %arg14[%parallel_loop3A_19, %parallel_loop3A_21] : memref<4x16xf32, #tpu.memory_space<vmem>>[vector<16xi32>, vector<16xi32>], vector<16xf32>,
      %parallel_loop3A_23 = tpu.vector_load_idx %arg13[%parallel_loop3A_19, %parallel_loop3A_21] : memref<4x16xf32, #tpu.memory_space<vmem>>[vector<16xi32>, vector<16xi32>], vector<16xf32>,
      %parallel_loop3A_24 = arith.index_cast %parallel_loop3A_16 : i32 to index
      %parallel_loop3A_25 = tpu.vector_load %arg9[%parallel_loop3A_24] {strides = array<i32>} : memref<3136xf32, #tpu.memory_space<vmem>>, vector<16xf32>,
      %parallel_loop3A_26 = arith.mulf %parallel_loop3A_25, %parallel_loop3A_22 : vector<16xf32>
      %parallel_loop3A_27 = arith.addf %parallel_loop3A_26, %parallel_loop3A_23 : vector<16xf32>
      %parallel_loop3A_28 = arith.index_cast %parallel_loop3A_16 : i32 to index
      %parallel_loop3A_29 = tpu.vector_load %arg15[%parallel_loop3A_28] {strides = array<i32>} : memref<3136xf32, #tpu.memory_space<vmem>>, vector<16xf32>,
      tpu.vector_store %arg15[%parallel_loop3A_28], %parallel_loop3A_27 {strides = array<i32>} : memref<3136xf32, #tpu.memory_space<vmem>>, vector<16xf32>,
    } {sc.loop_unroll_factor = 4 : i64, sc.parallel_access}
    "tpu.region"() ({
      %run_scoped3A = tpu.sem_alloc : memref<!tpu.dma_semaphore, #tpu.memory_space<semaphore_mem>>
      %dma_start3A_16 = tpu.memref_slice %arg8[%min3A_3] : memref<100000xf32, #tpu.memory_space<hbm>> -> memref<3136xf32, #tpu.memory_space<hbm>>
      %dma_start3A_17 = tpu.memref_slice %arg8[%min3A_3] : memref<100000xf32, #tpu.memory_space<hbm>> -> memref<3136xf32, #tpu.memory_space<hbm>>
      tpu.enqueue_dma source(%arg15 : memref<3136xf32, #tpu.memory_space<vmem>>) target(%dma_start3A_17 : memref<3136xf32, #tpu.memory_space<hbm>>) target_semaphore(%run_scoped3A : memref<!tpu.dma_semaphore, #tpu.memory_space<semaphore_mem>>)
      %dma_wait3A_18 = tpu.memref_slice %arg8[%min3A_3] : memref<100000xf32, #tpu.memory_space<hbm>> -> memref<3136xf32, #tpu.memory_space<hbm>>
      %dma_wait3A_19 = tpu.memref_slice %arg8[%min3A_3] : memref<100000xf32, #tpu.memory_space<hbm>> -> memref<3136xf32, #tpu.memory_space<hbm>>
      tpu.wait_dma2 semaphore(%run_scoped3A : memref<!tpu.dma_semaphore, #tpu.memory_space<semaphore_mem>>) src(%arg15 : memref<3136xf32, #tpu.memory_space<vmem>>) dst(%dma_wait3A_19 : memref<3136xf32, #tpu.memory_space<hbm>>)
      tpu.yield
    }) : () -> ()
    return
  }
}

</mosaic_0001>

<sc_bundles>
// kernel: _rescale.3.cloned.1.call-start
scs
__scs_entry_jumppad:
0x0: {  	(pc) =	sbr.rel $0x88, $3  }
0x1: {  	(tag) =	ssettag $0x0;
	lr =	simm.s32 $0x1  }
0x2: {  	[smem:$0x3F9B] =	sst lr;
	_ =	strace $0xD0000000  }
0x3: {  	_ = 	snop  }
0x4: {  	_ = 	snop  }
0x5: {  	_ = 	snop  }
0x6: {  	_ = 	snop  }
0x7: {  	_ = 	snop  }
__scs_overlays_trampoline_lowered:
0x8: {  	[smem:$0x3FAA] =	sst s0  }
0x9: {  	[smem:$0x3FAB] =	sst s1  }
0xa: {  	[smem:$0x3FAC] =	sst s2  }
0xb: {  	[smem:$0x3FAD] =	sst s3  }
0xc: {  	[smem:$0x3FAE] =	sst s4  }
0xd: {  	[smem:$0x3FAF] =	sst s5  }
0xe: {  	[smem:$0x3FB0] =	sst s6  }
0xf: {  	[smem:$0x3FB1] =	sst s7  }
0x10: {  	[smem:$0x3FB2] =	sst s8  }
0x11: {  	[smem:$0x3FB3] =	sst s9;
	s0 =	simm.s32 @!p0 $0x0  }
0x12: {  	s1 =	sld [smem:$0x3F99];
	s0 =	simm.s32 @p0 $0x1  }
0x13: {  	[smem:$0x3FB4] =	sst s0;
	s0 =	simm.s32 @!p1 $0x0  }
0x14: {  	s2 =	sld [smem:$0x3F98];
	s0 =	simm.s32 @p1 $0x1  }
0x15: {  	[smem:$0x3FB5] =	sst s0;
	s0 =	simm.s32 @!p2 $0x0  }
0x16: {  	s3 =	sld [smem:$0x3FDB];
	s0 =	simm.s32 @p2 $0x1  }
0x17: {  	s4 =	simm.s32 $0x1BF5;
	[smem:$0x3FB7] =	sst s0  }
0x18: {  	s0 =	sld [smem:$0x3F9A];
	_ =	swait.ge [sflag:s4], $0x0  }
0x19: {  	s7 =	sld [smem:$0x3F9B]  }
0x1a: {  	s8 =	sadd.s32 $0xFFFFE003, lr  }
0x1b: {  	s9 =	sadd.s32 $0xFFFFFEF7, lr;
	s5 =	simm.s32 $0xFFFFFFFF;
	p2 =	slt.u32 s8, $0xFFFFF086  }
0x1c: {  	p1 =	slt.u32 s9, $0xF7A;
	s5 =	simm.s32 @!p2 $0x0  }
0x1d: {  	s5 =	simm.s32 @p1 $0x1;
	p0 =	seq.s32 s7, s2  }
0x1e: {  	s7 =	smul.u32 @!p0 $0xF7A, s2;
	p2 =	seq.s32 @!p0 s5, $0x0  }
0x1f: {  	s9 =	smul.u32 $0xF7A, s1;
	s8 =	simm.s32 @!p0 $0x1BF5;
	p2 =	por !p2, p0  }
0x20: {  	[sflag:s8] =	ssyncset.s32 @!p0 $0xFFFFF086;
	s6 =	sadd.s32 @!p0 s3, s7;
	s7 =	simm.s32 @!p0 $0x108  }
0x21: {  	s3 =	sadd.s32 s3, s9;
	s6 =	sadd.s32 @!p0 $0x88, s6;
	s7 =	simm.s32 @p2 $0x1082  }
0x22: {  	[simem:s7], [sflag:s8] =	dma.local @!p0 [hbm:s6], $0xF7A  }
0x23: {  	s9 =	sor.u32 $0xD0000000, s2;
	s6 =	simm.s32 $0x108;
	_ =	swait.ge @!p0 [sflag:s8], $0x0  }
0x24: {  	s3 =	sadd.s32 $0x88, s3;
	s6 =	simm.s32 @!p1 $0x1082;
	[sflag:s4] =	ssyncset.s32 $0xFFFFF086  }
0x25: {  	[simem:s6], [sflag:s4] =	dma.local [hbm:s3], $0xF7A  }
0x26: {  	[smem:$0x3F9B] =	sst s1;
	(tag) =	ssettag s2;
	_ =	strace s9  }
0x27: {  	s1 =	sld [smem:$0x3FAB]  }
0x28: {  	s2 =	sld [smem:$0x3FAC]  }
0x29: {  	s4 =	sld [smem:$0x3FAE]  }
0x2a: {  	p0 =	seq.s32 s5, $0x0;
	s5 =	sld [smem:$0x3FAF]  }
0x2b: {  	s6 =	sld [smem:$0x3FB0]  }
0x2c: {  	s7 =	sld [smem:$0x3FB1]  }
0x2d: {  	s3 =	simm.s32 $0x108;
	s8 =	sld [smem:$0x3FB2]  }
0x2e: {  	s3 =	simm.s32 @!p0 $0x1082;
	s9 =	sld [smem:$0x3FB3]  }
0x2f: {  	lr =	sadd.s32 s0, s3;
	s0 =	sld [smem:$0x3FAA]  }
0x30: {  	s3 =	sld [smem:$0x3FAD]  }
0x31: {  	[smem:$0x3FB6] =	sst s10  }
0x32: {  	s10 =	sld [smem:$0x3FB4];
	_ =	sdelay $0x3  }
0x33: {  	p0 =	seq.s32 s10, $0x1;
	s10 =	sld [smem:$0x3FB6];
	_ =	sdelay $0x3  }
0x34: {  	[smem:$0x3FB6] =	sst s10  }
0x35: {  	s10 =	sld [smem:$0x3FB5];
	_ =	sdelay $0x3  }
0x36: {  	p1 =	seq.s32 s10, $0x1;
	s10 =	sld [smem:$0x3FB6];
	_ =	sdelay $0x3  }
0x37: {  	[smem:$0x3FB6] =	sst s10  }
0x38: {  	s10 =	sld [smem:$0x3FB7]  }
0x39: {  	_ = 	snop;
	(pc) =	sbr.ind lr, $3  }
0x3a: {  	_ = 	snop  }
0x3b: {  	_ = 	snop  }
0x3c: {  	p2 =	seq.s32 s10, $0x1;
	s10 =	sld [smem:$0x3FB6]  }
0x3d: {  	_ =	shalt  }
0x3e: {  	_ =	shalt  }
0x3f: {  	_ =	shalt  }
0x40: {  	_ =	shalt  }
0x41: {  	_ =	shalt  }
0x42: {  	_ =	shalt  }
0x43: {  	_ =	shalt  }
0x44: {  	_ =	shalt  }
0x45: {  	_ =	shalt  }
0x46: {  	_ =	shalt  }
0x47: {  	_ =	shalt  }
0x48: {  	_ =	shalt  }
0x49: {  	_ =	shalt  }
0x4a: {  	_ =	shalt  }
0x4b: {  	_ =	shalt  }
0x4c: {  	_ =	shalt  }
0x4d: {  	_ =	shalt  }
0x4e: {  	_ =	shalt  }
0x4f: {  	_ =	shalt  }
0x50: {  	_ =	shalt  }
0x51: {  	_ =	shalt  }
0x52: {  	_ =	shalt  }
0x53: {  	_ =	shalt  }
0x54: {  	_ =	shalt  }
0x55: {  	_ =	shalt  }
0x56: {  	_ =	shalt  }
0x57: {  	_ =	shalt  }
0x58: {  	_ =	shalt  }
0x59: {  	_ =	shalt  }
0x5a: {  	_ =	shalt  }
0x5b: {  	_ =	shalt  }
0x5c: {  	_ =	shalt  }
0x5d: {  	_ =	shalt  }
0x5e: {  	_ =	shalt  }
0x5f: {  	_ =	shalt  }
0x60: {  	_ =	shalt  }
0x61: {  	_ =	shalt  }
0x62: {  	_ =	shalt  }
0x63: {  	_ =	shalt  }
0x64: {  	_ =	shalt  }
0x65: {  	_ =	shalt  }
0x66: {  	_ =	shalt  }
0x67: {  	_ =	shalt  }
0x68: {  	_ =	shalt  }
0x69: {  	_ =	shalt  }
0x6a: {  	_ =	shalt  }
0x6b: {  	_ =	shalt  }
0x6c: {  	_ =	shalt  }
0x6d: {  	_ =	shalt  }
0x6e: {  	_ =	shalt  }
0x6f: {  	_ =	shalt  }
0x70: {  	_ =	shalt  }
0x71: {  	_ =	shalt  }
0x72: {  	_ =	shalt  }
0x73: {  	_ =	shalt  }
0x74: {  	_ =	shalt  }
0x75: {  	_ =	shalt  }
0x76: {  	_ =	shalt  }
0x77: {  	_ =	shalt  }
0x78: {  	_ =	shalt  }
0x79: {  	_ =	shalt  }
0x7a: {  	_ =	shalt  }
0x7b: {  	_ =	shalt  }
0x7c: {  	_ =	shalt  }
0x7d: {  	_ =	shalt  }
0x7e: {  	_ =	shalt  }
0x7f: {  	_ =	shalt  }
0x80: {  	_ =	shalt  }
0x81: {  	_ =	shalt  }
0x82: {  	_ =	shalt  }
0x83: {  	_ =	shalt  }
0x84: {  	_ =	shalt  }
0x85: {  	_ =	shalt  }
0x86: {  	_ =	shalt  }
0x87: {  	_ =	shalt  }
.Lfunc_end0:
.L_simem_size_0:
called_computation_lowered:
.L_overlay_start_0:
0x88: {  	s2 =	sld [smem:$0x3FD9]  }
0x89: {  	s3 =	sld [smem:$0x3FFE];
	_ =	sdelay $0x1  }
0x8a: {  	s1 =	srdreg.scid  }
0x8b: {  	s0 =	sand.u32 $0x1, s1  }
0x8c: {  	s18 =	sshll.u32 s0, $0xA;
	s2 =	sadd.s32 s3, s2  }
0x8d: {  	s2 =	sadd.s32 s2, s18  }
0x8e: {  	[smem:$0x3FC2] =	sst s2  }
0x8f: {  	_ = 	snop  }
0x90: {  	s2 =	sld [smem:$0x3FC9]  }
0x91: {  	s19 =	sld [smem:$0x3FC8]  }
0x92: {  	s4 =	sld [smem:$0x3FC7]  }
0x93: {  	s5 =	sld [smem:$0x3FC6]  }
0x94: {  	s6 =	sld [smem:$0x3FC5]  }
0x95: {  	s7 =	sld [smem:$0x3FC4]  }
0x96: {  	s8 =	sld [smem:$0x3FD0];
	(tm) =	ssettm $0x1  }
0x97: {  	s9 =	sld [smem:$0x3FFB];
	_ =	sdelay $0x3  }
0x98: {  	_ =	strace s9  }
0x99: {  	s9 =	sld [smem:$0x3FFC];
	_ =	sdelay $0x3  }
0x9a: {  	_ =	strace s9  }
0x9b: {  	s9 =	sld [smem:$0x3FFD];
	_ =	sdelay $0x3  }
0x9c: {  	_ =	strace s9  }
0x9d: {  	_ =	strace $0x8FFFFFFF  }
0x9e: {  	s20 =	sld [smem:$0x3FDB];
	_ =	sdelay $0x1  }
0x9f: {  	s10 =	simm.s32 $_scs_section_size  }
0xa0: {  	s11 =	simm.s32 $_size__tile_overlayer_lowered;
	s12 =	simm.s32 $_tile_overlayer_lowered  }
0xa1: {  	s23 =	simm.s32 $0x1BFF;
	s22 =	sshll.u32 s12, $0x1;
	s9 =	sadd.s32 s10, s20  }
0xa2: {  	s13 =	simm.s32 $0x0;
	s21 =	sshll.u32 s11, $0x1;
	s11 =	sadd.s32 s22, s9  }
0xa3: {  	[timem:s13], [sflag:s23] =	dma.local [hbm:s11], s21  }
0xa4: {  	_ =	swait.ge [sflag:s23], s21  }
0xa5: {  	s10 =	ssub.s32 $0x0, s21;
	[sflag:s23] =	ssyncset.done $0x0  }
0xa6: {  	[sflag:s23] =	ssyncadd.s32 s10;
	_ =	sdelay $0x1  }
0xa7: {  	s24 =	simm.s32 $0x1B8B  }
0xa8: {  	_ =	swait.ge [sflag:s24], $0x1  }
0xa9: {  	[sflag:s24] =	ssyncset.done $0x0  }
0xaa: {  	s25 =	simm.s32 $0x1B8E;
	[sflag:s24] =	ssyncadd.s32 $0xFFFFFFFF  }
0xab: {  	s26 =	simm.s32 $execute0_lowered;
	[smem:$0x3FD2] =	sst s25  }
0xac: {  	s10 =	sshll.u32 s26, $0x1;
	_ =	strace $0x80000046;
	[dreg:$0x1] =	wrdreg $0xFFFFFFFF  }
0xad: {  	s28 =	simm.s32 $_size_execute0_lowered;
	s9 =	sadd.s32 s9, s10;
	[dreg:$0x0] =	wrdreg $0x0  }
0xae: {  	s10 =	sshll.u32 s28, $0x1;
	[dreg:$0x2] =	wrdreg s9  }
0xaf: {  	[dreg:$0x3] =	wrdreg s10  }
0xb0: {  	[dreg:$0x4] =	wrdreg $0xC0  }
0xb1: {  	_ =	task [dreg:s13], $0x5FFFF  }
0xb2: {  	[dreg:$0x1] =	wrdreg $0xFFFFFFFF  }
0xb3: {  	[dreg:$0x0] =	wrdreg $0x60  }
0xb4: {  	[dreg:$0x2] =	wrdreg s2  }
0xb5: {  	[dreg:$0x3] =	wrdreg s19  }
0xb6: {  	[dreg:$0x4] =	wrdreg s4  }
0xb7: {  	[dreg:$0x5] =	wrdreg s5  }
0xb8: {  	[dreg:$0x6] =	wrdreg s6  }
0xb9: {  	[dreg:$0x7] =	wrdreg s7  }
0xba: {  	[dreg:$0x8] =	wrdreg s8  }
0xbb: {  	[dreg:$0x9] =	wrdreg $0x9  }
0xbc: {  	_ =	task.clear_ibuf [dreg:s13], $0xAFFFF;
	_ =	strace $0x90000046  }
0xbd: {  	s29 =	simm.s32 $0x9;
	_ =	strace $0x80000048  }
0xbe: {  	_ =	swait.ge [sflag:s29], $0x1  }
0xbf: {  	[sflag:s29] =	ssyncadd.s32 $0xFFFFFFFF  }
0xc0: {  	_ =	strace $0x90000048  }
0xc1: {  	_ =	sfence  }
0xc2: {  	s30 =	sld [smem:$0x0];
	_ =	sdelay $0x2  }
0xc3: {  	s31 =	sshll.u32 s1, $0xD;
	s1 =	sshrl.u32 s1, $0x2  }
0xc4: {  	s3 =	sand.u32 $0x4000, s31;
	s1 =	sadd.s32 s1, s30  }
0xc5: {  	s0 =	sor.u32 s3, s0;
	s1 =	sshll.u32 s1, $0x11  }
0xc6: {  	s0 =	sor.u32 s1, s0  }
0xc7: {  	s0 =	sadd.s32 $0x8F2B, s0  }
0xc8: {  	[sflag:s0] =	ssyncadd.remote.s32 $0x1  }
0xc9: {  	_ =	sfence.sel $0xFFFF  }
0xca: {  	[dreg:$0x0] =	wrdreg $0xFFFFFFFF;
	(pc) =	sbr.abs _section_cstart, $3  }
0xcb: {  	[dreg:$0x1] =	wrdreg $0xFFFFFFFF  }
0xcc: {  	_ =	task.clear_ibuf [dreg:s13], $0x2FFFF;
	_ =	strace $0x9FFFFFFF  }
0xcd: {  	(tm) =	ssettm $0x7FFFFFFF  }
tec
execute0_lowered:
.L_overlay_start_1:
0x0: {  	(tag) =	ssettag $0x1  }
0x1: {  	s6 =	rddreg [dreg:$0x0]  }
0x2: {  	s7 =	rddreg [dreg:$0x1]  }
0x3: {  	s8 =	rddreg [dreg:$0x2]  }
0x4: {  	s1 =	rddreg [dreg:$0x3]  }
0x5: {  	s2 =	rddreg [dreg:$0x4]  }
0x6: {  	s3 =	srdreg.scid;
	s4 =	rddreg [dreg:$0x5]  }
0x7: {  	s0 =	stileid.u32;
	s10 =	rddreg [dreg:$0x6]  }
0x8: {  	s5 =	simm.s32 $0x0;
	s9 =	sand.u32 $0x1, s3;
	s31 =	sshll.u32 s0, $0x1  }
0x9: {  	s13 =	simm.s32 $0x2880;
	s14 =	simm.s32 $0xC80;
	s3 =	sor.u32 s9, s31  }
0xa: {  	s15 =	simm.s32 $0x1900;
	s16 =	simm.s32 $0x1;
	s11 =	smul.u32 $0xC40, s3  }
0xb: {  	s17 =	simm.s32 $0x2A80;
	s18 =	simm.s32 $0x2;
	s19 =	simm.s32 $0x0  }
0xc: {  	[smem:$0x7FF] =	sst s5;
	s9 =	ssub.s32 $0x2, s9;
	s11 =	smin.u32 s11, $0x17A60  }
0xd: {  	s3 =	rddreg [dreg:$0x7];
	s12 =	sshrl.u32 s9, $0x1;
	s11 =	sshrl.u32 s11, $0x3  }
0xe: {  	_ =	strace $0x80000047;
	s12 =	ssub.s32 s9, s12;
	s6 =	sadd.s32 s6, s11  }
0xf: {  	s7 =	sadd.s32 s7, s11;
	s8 =	sadd.s32 s8, s11;
	s9 =	sadd.s32 s10, s11  }
0x10: {  	s10 =	smax.u32 s12, $0x1;
	s11 =	simm.s32 $0x2580;
	s12 =	simm.s32 $0x2680  }
.LBB2_1:
0x11: {  	[tilespmem:s11], [sflag:$0x1] =	stream.linear.gather [hbm4b:s1+s5], $0x100, $0x38;
	[tilespmem:$0x3700] =	vst v63  }
0x12: {  	_ = 	snop  }
0x13: {  	[tilespmem:s12], [sflag:$0x1] =	stream.linear.gather [hbm4b:s2+s5], $0x200, $0x38;
	[tilespmem:$0x3700] =	vst v63  }
0x14: {  	_ = 	snop  }
0x15: {  	[tilespmem:s13], [sflag:$0x1] =	stream.linear.gather [hbm4b:s4+s5], $0x200, $0x38;
	[tilespmem:$0x3700] =	vst v63  }
0x16: {  	_ = 	snop  }
0x17: {  	[tilespmem:s5], [sflag:$0x1] =	stream.linear.gather [hbm4b:s6+s5], $0xC40, $0x38;
	[tilespmem:$0x3700] =	vst v63  }
0x18: {  	_ = 	snop  }
0x19: {  	[tilespmem:s14], [sflag:$0x1] =	stream.linear.gather [hbm4b:s7+s5], $0xC40, $0x38;
	[tilespmem:$0x3700] =	vst v63  }
0x1a: {  	_ = 	snop  }
0x1b: {  	[tilespmem:s15], [sflag:$0x1] =	stream.linear.gather [hbm4b:s8+s5], $0xC40, $0x38;
	[tilespmem:$0x3700] =	vst v63  }
0x1c: {  	_ =	swait.ge [sflag:s16], $0x100  }
0x1d: {  	[sflag:s16] =	ssyncset.done $0x0  }
0x1e: {  	[sflag:s16] =	ssyncadd.s32 $0xFFFFFF00  }
0x1f: {  	_ =	swait.ge [sflag:s16], $0x200  }
0x20: {  	[sflag:s16] =	ssyncset.done $0x0  }
0x21: {  	[sflag:s16] =	ssyncadd.s32 $0xFFFFFE00  }
0x22: {  	_ =	swait.ge [sflag:s16], $0x200  }
0x23: {  	[sflag:s16] =	ssyncset.done $0x0  }
0x24: {  	[sflag:s16] =	ssyncadd.s32 $0xFFFFFE00  }
0x25: {  	_ =	swait.ge [sflag:s16], $0xC40  }
0x26: {  	[sflag:s16] =	ssyncset.done $0x0  }
0x27: {  	[sflag:s16] =	ssyncadd.s32 $0xFFFFF3C0  }
0x28: {  	_ =	swait.ge [sflag:s16], $0xC40  }
0x29: {  	[sflag:s16] =	ssyncset.done $0x0  }
0x2a: {  	[sflag:s16] =	ssyncadd.s32 $0xFFFFF3C0  }
0x2b: {  	_ =	swait.ge [sflag:s16], $0xC40  }
0x2c: {  	[sflag:s16] =	ssyncset.done $0x0  }
0x2d: {  	s20 =	simm.s32 $0xCA0;
	[sflag:s16] =	ssyncadd.s32 $0xFFFFF3C0  }
0x2e: {  	v0 =	vld [tilespmem:s20+$0x10];
	_ =	sdelay $0x3  }
0x2f: {  	v1 =	vld [tilespmem:s20+$0xFFFFFFF0]  }
0x30: {  	v2 =	vld [tilespmem:s20+$0xFFFFFFE0]  }
0x31: {  	s30 =	simm.s32 $0x1920  }
0x32: {  	v4 =	vld [tilespmem:s30+$0x10]  }
0x33: {  	v0 =	vld.idx.msk [tilespmem:v0+s11+$0x0], $0xffff;
	_ =	sdelay $0x1  }
0x34: {  	v3 =	vld [tilespmem:s20+$0x0]  }
0x35: {  	v6 =	vld [tilespmem:s30+$0x0]  }
0x36: {  	v1 =	vld.idx.msk [tilespmem:v1+s11+$0x0], $0xffff  }
0x37: {  	v5 =	vand.u32 $0xFFFFFF80, v4;
	v2 =	vld.idx.msk [tilespmem:v2+s11+$0x0], $0xffff;
	v0 =	vshll.u32 v0, $0x7  }
0x38: {  	v4 =	vand.u32 $0x7F, v4;
	v0 =	vadd.s32 v0, v5;
	v5 =	vld [tilespmem:s30+$0xFFFFFFE0]  }
0x39: {  	s21 =	simm.s32 $0x20;
	v0 =	vor.u32 v4, v0;
	v4 =	vld [tilespmem:s30+$0xFFFFFFF0]  }
0x3a: {  	v9 =	vld [tilespmem:s21+$0x10]  }
0x3b: {  	v13 =	vld [tilespmem:s21+$0xFFFFFFE0]  }
0x3c: {  	v18 =	vld [tilespmem:s21+$0xFFFFFFF0]  }
0x3d: {  	s20 =	simm.s32 $0x1960;
	v3 =	vld.idx.msk [tilespmem:v3+s11+$0x0], $0xffff;
	v2 =	vshll.u32 v2, $0x7;
	v7 =	vand.u32 $0xFFFFFF80, v5  }
0x3e: {  	v14 =	vld [tilespmem:s20+$0x10];
	v1 =	vshll.u32 v1, $0x7;
	v2 =	vadd.s32 v2, v7;
	v7 =	vand.u32 $0xFFFFFF80, v4  }
0x3f: {  	s31 =	simm.s32 $0xCE0;
	v16 =	vld [tilespmem:s20+$0xFFFFFFE0];
	v4 =	vand.u32 $0x7F, v4;
	v1 =	vadd.s32 v1, v7  }
0x40: {  	v1 =	vor.u32 v4, v1;
	v4 =	vld [tilespmem:s31+$0x10]  }
0x41: {  	v17 =	vld [tilespmem:s20+$0xFFFFFFF0]  }
0x42: {  	v3 =	vshll.u32 v3, $0x7;
	v5 =	vand.u32 $0x7F, v5;
	v8 =	vld.idx.msk [tilespmem:v0+s13+$0x0], $0xffff;
	v7 =	vand.u32 $0xFFFFFF80, v6  }
0x43: {  	v2 =	vor.u32 v5, v2;
	v5 =	vand.u32 $0x7F, v6;
	v3 =	vadd.s32 v3, v7;
	v7 =	vld [tilespmem:s31+$0xFFFFFFE0]  }
0x44: {  	v6 =	vor.u32 v5, v3;
	v5 =	vld [tilespmem:s31+$0x0]  }
0x45: {  	v3 =	vld [tilespmem:s31+$0xFFFFFFF0]  }
0x46: {  	v0 =	vld.idx.msk [tilespmem:v0+s12+$0x0], $0xffff  }
0x47: {  	v8 =	vmul.f32 v9, v8;
	v9 =	vld [tilespmem:s20+$0x0]  }
0x48: {  	v4 =	vld.idx.msk [tilespmem:v4+s11+$0x0], $0xffff  }
0x49: {  	v10 =	vld.idx.msk [tilespmem:v2+s13+$0x0], $0xffff  }
0x4a: {  	v11 =	vld.idx.msk [tilespmem:v1+s13+$0x0], $0xffff  }
0x4b: {  	v7 =	vld.idx.msk [tilespmem:v7+s11+$0x0], $0xffff  }
0x4c: {  	v5 =	vld.idx.msk [tilespmem:v5+s11+$0x0], $0xffff  }
0x4d: {  	v15 =	vld.idx.msk [tilespmem:v3+s11+$0x0], $0xffff;
	v3 =	vand.u32 $0xFFFFFF80, v14;
	v4 =	vshll.u32 v4, $0x7  }
0x4e: {  	v0 =	vadd.f32 v8, v0;
	v8 =	vld [tilespmem:s21+$0x0];
	v3 =	vadd.s32 v4, v3;
	v4 =	vand.u32 $0x7F, v14  }
0x4f: {  	v12 =	vld.idx.msk [tilespmem:v6+s13+$0x0], $0xffff;
	v14 =	vor.u32 v4, v3  }
0x50: {  	v60 =	vand.u32 $0x7F, v16;
	v62 =	vand.u32 $0x7F, v17;
	v6 =	vld.idx.msk [tilespmem:v6+s12+$0x0], $0xffff;
	v7 =	vshll.u32 v7, $0x7  }
0x51: {  	v61 =	vshll.u32 v5, $0x7;
	v3 =	vmul.f32 v13, v10;
	v4 =	vld.idx.msk [tilespmem:v2+s12+$0x0], $0xffff;
	v2 =	vand.u32 $0xFFFFFF80, v16  }
0x52: {  	s22 =	simm.s32 $0x60;
	s21 =	simm.s32 $0x2AA0;
	v5 =	vld.idx.msk [tilespmem:v1+s12+$0x0], $0xffff;
	v10 =	vshll.u32 v15, $0x7;
	v1 =	vadd.s32 v7, v2;
	v2 =	vand.u32 $0xFFFFFF80, v17  }
0x53: {  	[tilespmem:s21+$0x10] =	vst v0;
	v63 =	vand.u32 $0x7F, v9;
	v2 =	vadd.s32 v10, v2;
	v10 =	vand.u32 $0xFFFFFF80, v9;
	v9 =	vld [tilespmem:s22+$0x10]  }
0x54: {  	v11 =	vmul.f32 v18, v11;
	v0 =	vor.u32 v62, v2;
	v2 =	vadd.s32 v61, v10;
	v7 =	vld.idx.msk [tilespmem:v14+s13+$0x0], $0xffff  }
0x55: {  	s23 =	simm.s32 $0x40;
	s24 =	simm.s32 $0xD20;
	v1 =	vor.u32 v60, v1;
	v10 =	vmul.f32 v8, v12;
	v2 =	vor.u32 v63, v2;
	v8 =	vld.idx.msk [tilespmem:v14+s12+$0x0], $0xffff  }
.LBB2_2:
0x56: {  	v12 =	vld [tilespmem:s24+$0x10];
	s23 =	sadd.s32 $0x40, s23;
	v3 =	vadd.f32 v3, v4  }
0x57: {  	v5 =	vadd.f32 v11, v5;
	v4 =	vld [tilespmem:s24+$0xFFFFFFF0];
	p0 =	slt.u32 s23, $0xC00  }
0x58: {  	v11 =	vld [tilespmem:s24+$0x0];
	[tilespmem:s21+$0xFFFFFFE0] =	vst v3;
	v3 =	vadd.f32 v10, v6  }
0x59: {  	v6 =	vld [tilespmem:s24+$0xFFFFFFE0];
	v7 =	vmul.f32 v9, v7;
	[tilespmem:s21+$0xFFFFFFF0] =	vst v5  }
0x5a: {  	v5 =	vld.idx.msk [tilespmem:v1+s13+$0x0], $0xffff;
	[tilespmem:s21+$0x0] =	vst v3  }
0x5b: {  	v10 =	vld.idx.msk [tilespmem:v0+s13+$0x0], $0xffff;
	v3 =	vadd.f32 v7, v8  }
0x5c: {  	s21 =	sadd.s32 $0x40, s21;
	v8 =	vld.idx.msk [tilespmem:v2+s13+$0x0], $0xffff  }
0x5d: {  	v7 =	vld [tilespmem:s22+$0xFFFFFFE0];
	[tilespmem:s21+$0x10] =	vst v3  }
0x5e: {  	s20 =	sadd.s32 $0x40, s20;
	v9 =	vld.idx.msk [tilespmem:v12+s11+$0x0], $0xffff  }
0x5f: {  	v12 =	vld [tilespmem:s20+$0x10]  }
0x60: {  	v4 =	vld.idx.msk [tilespmem:v4+s11+$0x0], $0xffff  }
0x61: {  	v6 =	vld.idx.msk [tilespmem:v6+s11+$0x0], $0xffff  }
0x62: {  	v11 =	vld.idx.msk [tilespmem:v11+s11+$0x0], $0xffff;
	v3 =	vmul.f32 v7, v5  }
0x63: {  	v5 =	vld [tilespmem:s20+$0xFFFFFFE0]  }
0x64: {  	v9 =	vshll.u32 v9, $0x7;
	v7 =	vld [tilespmem:s20+$0xFFFFFFF0];
	v13 =	vand.u32 $0xFFFFFF80, v12  }
0x65: {  	v12 =	vand.u32 $0x7F, v12;
	v14 =	vld [tilespmem:s20+$0x0];
	v9 =	vadd.s32 v9, v13  }
0x66: {  	v13 =	vshll.u32 v4, $0x7;
	v12 =	vor.u32 v12, v9;
	v15 =	vld [tilespmem:s22+$0xFFFFFFF0]  }
0x67: {  	v6 =	vshll.u32 v6, $0x7;
	v16 =	vld [tilespmem:s22+$0x0]  }
0x68: {  	v11 =	vshll.u32 v11, $0x7;
	v9 =	vand.u32 $0xFFFFFF80, v5;
	v17 =	vand.u32 $0x7F, v5;
	v4 =	vld.idx.msk [tilespmem:v1+s12+$0x0], $0xffff  }
.Ltmp0:
0x69: {  	v1 =	vadd.s32 v6, v9;
	v6 =	vand.u32 $0xFFFFFF80, v7;
	v7 =	vand.u32 $0x7F, v7;
	v5 =	vld.idx.msk [tilespmem:v0+s12+$0x0], $0xffff;
	(pc) =	sbr.rel @p0 .LBB2_2-.Ltmp0, $4  }
0x6a: {  	v0 =	vadd.s32 v13, v6;
	v9 =	vand.u32 $0xFFFFFF80, v14;
	v13 =	vand.u32 $0x7F, v14;
	v6 =	vld.idx.msk [tilespmem:v2+s12+$0x0], $0xffff  }
0x6b: {  	s22 =	sadd.s32 $0x40, s22;
	v1 =	vor.u32 v17, v1;
	v0 =	vor.u32 v7, v0;
	v2 =	vadd.s32 v11, v9;
	v7 =	vld.idx.msk [tilespmem:v12+s13+$0x0], $0xffff  }
0x6c: {  	v11 =	vmul.f32 v15, v10;
	v2 =	vor.u32 v13, v2;
	v9 =	vld [tilespmem:s22+$0x10];
	v10 =	vmul.f32 v16, v8  }
0x6d: {  	s24 =	sadd.s32 $0x40, s24;
	v8 =	vld.idx.msk [tilespmem:v12+s12+$0x0], $0xffff  }
0x6e: {  	_ =	sdelay $0x3  }
0x6f: {  	v12 =	vld.idx.msk [tilespmem:v1+s13+$0x0], $0xffff  }
0x70: {  	v13 =	vld.idx.msk [tilespmem:v0+s13+$0x0], $0xffff  }
0x71: {  	v14 =	vld.idx.msk [tilespmem:v2+s13+$0x0], $0xffff  }
0x72: {  	v15 =	vld [tilespmem:s22+$0xFFFFFFE0]  }
0x73: {  	v16 =	vld [tilespmem:s22+$0xFFFFFFF0]  }
0x74: {  	v17 =	vld [tilespmem:s22+$0x0]  }
0x75: {  	v53 =	vld.idx.msk [tilespmem:v1+s12+$0x0], $0xffff  }
0x76: {  	v3 =	vadd.f32 v3, v4;
	v54 =	vld.idx.msk [tilespmem:v0+s12+$0x0], $0xffff  }
0x77: {  	v55 =	vadd.f32 v11, v5;
	v57 =	vld.idx.msk [tilespmem:v2+s12+$0x0], $0xffff;
	v56 =	vmul.f32 v9, v7  }
0x78: {  	v58 =	vadd.f32 v10, v6;
	[tilespmem:s21+$0xFFFFFFE0] =	vst v3;
	v59 =	vmul.f32 v15, v12  }
0x79: {  	[tilespmem:s21+$0xFFFFFFF0] =	vst v55;
	v60 =	vadd.f32 v56, v8;
	v61 =	vmul.f32 v16, v13  }
0x7a: {  	s20 =	sadd.s32 $0x40, s21;
	[tilespmem:s21+$0x0] =	vst v58;
	v62 =	vmul.f32 v17, v14;
	v1 =	vadd.f32 v59, v53  }
0x7b: {  	[tilespmem:s20+$0x10] =	vst v60;
	v0 =	vadd.f32 v61, v54  }
0x7c: {  	s19 =	sadd.s32 $0x1, s19;
	v63 =	vadd.f32 v62, v57;
	[tilespmem:s20+$0xFFFFFFE0] =	vst v1  }
0x7d: {  	p0 =	sne.s32 s19, s10;
	[tilespmem:s20+$0xFFFFFFF0] =	vst v0  }
.Ltmp1:
0x7e: {  	[tilespmem:s20+$0x0] =	vst v63;
	(pc) =	sbr.rel @p0 .LBB2_1-.Ltmp1, $4  }
0x7f: {  	[hbm4b:s9+s5] =	stream.linear.scatter [tilespmem:s17], [sflag:$0x2], $0xC40, $0x38;
	[tilespmem:$0x3700] =	vst v63  }
0x80: {  	_ =	swait.ge [sflag:s18], $0xC40  }
0x81: {  	[sflag:s18] =	ssyncset.done $0x0  }
0x82: {  	[sflag:s18] =	ssyncadd.s32 $0xFFFFF3C0  }
0x83: {  	_ =	sfence.sel $0x180000  }
0x84: {  	[bflag:$0x0] =	sbarrier.arrive $0xFFFF  }
0x85: {  	p0 =	sne.s32 s0, $0x0;
	_ =	strace $0x90000047  }
0x86: {  	s0 =	sadd.s32 @!p0 $0x100000, s3;
	[bflag:$0x2] =	sbarrier.arrive $0xFFFF  }
0x87: {  	[sflag:s0] =	ssyncadd.tile.s32 @!p0 $0x1;
	_ =	shalt  }
.Lfunc_end2:
_tile_overlayer_lowered:
.L_overlay_start_2:
0x88: {  	(tag) =	ssettag $0x2  }
0x89: {  	s0 =	rddreg [dreg:$0x0];
	s2 =	stileid.u32  }
0x8a: {  	s1 =	rddreg [dreg:$0x1];
	p0 =	sne.s32 s2, $0x0  }
0x8b: {  	s3 =	rddreg [dreg:$0x2];
	[bflag:$0x3] =	sbarrier.arrive $0xFFFF;
	s2 =	simm.s32 @!p0 $0x1C02  }
0x8c: {  	[timem:s3], [sflag:s2] =	dma.local @!p0 [hbm:s0], s1  }
0x8d: {  	s0 =	simm.s32 @!p0 $0x2  }
0x8e: {  	_ =	swait.ge @!p0 [sflag:s0], s1  }
0x8f: {  	s1 =	ssub.s32 @!p0 $0x0, s1;
	[sflag:s0] =	ssyncset.done @!p0 $0x0  }
0x90: {  	[sflag:s0] =	ssyncadd.s32 @!p0 s1  }
0x91: {  	[bflag:$0x3] =	sbarrier.arrive $0xFFFF  }
0x92: {  	_ =	shalt  }

</sc_bundles>
